<compile_context>
chip_gen: v7x
topology: tpu7x:2x2x1
jax: 0.10.2.dev20260603
libtpu: 0.0.44.dev20260713+nightly
codegen_flags: <defaults>
</compile_context>

<pallas_src>
import functools

import jax
import jax.numpy as jnp
from jax import lax
from jax.experimental import pallas as pl
from jax.experimental.pallas import tpu as pltpu
from jax.experimental.pallas import tpu_sc as plsc

B = 16384
D = 32
N = 1000000
NC = 2
NS = 16
NW = NC * NS
BPW = B // NW
CH = 512
NCH = BPW // CH

DT_COLS = 4096
DT_GRID = (N + DT_COLS - 1) // DT_COLS


def _detile_body(ut_ref, it_ref, u_out, i_out):
    u_out[...] = ut_ref[...].T
    i_out[...] = it_ref[...].T


_detile = pl.pallas_call(
    _detile_body,
    grid=(DT_GRID,),
    in_specs=[
        pl.BlockSpec((D, DT_COLS), lambda i: (0, i)),
        pl.BlockSpec((D, DT_COLS), lambda i: (0, i)),
    ],
    out_specs=[
        pl.BlockSpec((DT_COLS, D), lambda i: (i, 0)),
        pl.BlockSpec((DT_COLS, D), lambda i: (i, 0)),
    ],
    out_shape=[
        jax.ShapeDtypeStruct((N, D), jnp.float32),
        jax.ShapeDtypeStruct((N, D), jnp.float32),
    ],
)


def _gather_body(user_hbm, item_hbm, su_hbm, ti_hbm, u_out, i_out,
                 idx_u, idx_i, rows_u, rows_i, sem_u, sem_i):
    c = lax.axis_index("c")
    s = lax.axis_index("s")
    wid = s * NC + c
    base = wid * BPW
    pltpu.sync_copy(user_hbm.at[pl.ds(base, BPW)], idx_u)
    pltpu.sync_copy(item_hbm.at[pl.ds(base, BPW)], idx_i)
    copies = []
    for j in range(NCH):
        copies.append(pltpu.async_copy(
            su_hbm.at[idx_u.at[pl.ds(j * CH, CH)]],
            rows_u.at[pl.ds(j * CH, CH)], sem_u))
    for j in range(NCH):
        copies.append(pltpu.async_copy(
            ti_hbm.at[idx_i.at[pl.ds(j * CH, CH)]],
            rows_i.at[pl.ds(j * CH, CH)], sem_i))
    for cp in copies:
        cp.wait()
    pltpu.sync_copy(rows_u, u_out.at[pl.ds(base, BPW)])
    pltpu.sync_copy(rows_i, i_out.at[pl.ds(base, BPW)])


@functools.lru_cache(maxsize=1)
def _make_gather():
    mesh = plsc.VectorSubcoreMesh(core_axis_name="c", subcore_axis_name="s")
    return pl.kernel(
        _gather_body,
        out_type=[
            jax.ShapeDtypeStruct((B, D), jnp.float32),
            jax.ShapeDtypeStruct((B, D), jnp.float32),
        ],
        mesh=mesh,
        compiler_params=pltpu.CompilerParams(use_tc_tiling_on_sc=False),
        scratch_types=[
            pltpu.VMEM((BPW,), jnp.int32),
            pltpu.VMEM((BPW,), jnp.int32),
            pltpu.VMEM((BPW, D), jnp.float32),
            pltpu.VMEM((BPW, D), jnp.float32),
            pltpu.SemaphoreType.DMA,
            pltpu.SemaphoreType.DMA,
        ],
    )


ROWS_PER_BLK = 2048
GRID = B // ROWS_PER_BLK


def _mlp_body(u_ref, i_ref, w1, b1, w2, b2, w3, b3, w4, b4, out_ref):
    x = u_ref[...]
    h = jnp.maximum(
        jnp.dot(x, w1[...], preferred_element_type=jnp.float32) + b1[...], 0.0)
    h = jnp.maximum(
        jnp.dot(h, w2[...], preferred_element_type=jnp.float32) + b2[...], 0.0)
    h = jnp.maximum(
        jnp.dot(h, w3[...], preferred_element_type=jnp.float32) + b3[...], 0.0)
    y = jnp.dot(h, w4[...], preferred_element_type=jnp.float32) + b4[...]
    s = jnp.sum(y * i_ref[...], axis=1, keepdims=True) * (1.0 / 3.0)
    out_ref[...] = s


def _full(shape):
    return pl.BlockSpec(shape, lambda i: (0, 0))


_mlp = pl.pallas_call(
    _mlp_body,
    grid=(GRID,),
    in_specs=[
        pl.BlockSpec((ROWS_PER_BLK, D), lambda i: (i, 0)),
        pl.BlockSpec((ROWS_PER_BLK, D), lambda i: (i, 0)),
        _full((D, 48)), _full((1, 48)),
        _full((48, 48)), _full((1, 48)),
        _full((48, 48)), _full((1, 48)),
        _full((48, D)), _full((1, D)),
    ],
    out_specs=pl.BlockSpec((ROWS_PER_BLK, 1), lambda i: (i, 0)),
    out_shape=jax.ShapeDtypeStruct((B, 1), jnp.float32),
)


def _block_diag3(a, b, c):
    n = a.shape[0]
    z = jnp.zeros((n, n), jnp.float32)
    return jnp.concatenate([
        jnp.concatenate([a, z, z], axis=1),
        jnp.concatenate([z, b, z], axis=1),
        jnp.concatenate([z, z, c], axis=1),
    ], axis=0)


def kernel(user, item, su_table, ti_table, mlp1, mlp2, mlp3):
    u_emb, i_emb = _make_gather()(
        user.astype(jnp.int32), item.astype(jnp.int32), su_table, ti_table)

    (w1a, b1a), (w2a, b2a), (w3a, b3a), (w4a, b4a) = mlp1
    (w1b, b1b), (w2b, b2b), (w3b, b3b), (w4b, b4b) = mlp2
    (w1c, b1c), (w2c, b2c), (w3c, b3c), (w4c, b4c) = mlp3

    W1 = jnp.concatenate([w1a, w1b, w1c], axis=1)
    B1 = jnp.concatenate([b1a, b1b, b1c]).reshape(1, 48)
    W2 = _block_diag3(w2a, w2b, w2c)
    B2 = jnp.concatenate([b2a, b2b, b2c]).reshape(1, 48)
    W3 = _block_diag3(w3a, w3b, w3c)
    B3 = jnp.concatenate([b3a, b3b, b3c]).reshape(1, 48)
    W4 = jnp.concatenate([w4a, w4b, w4c], axis=0)
    B4 = (b4a + b4b + b4c).reshape(1, D)

    score = _mlp(u_emb, i_emb, W1, B1, W2, B2, W3, B3, W4, B4)
    return score.reshape(B)

# --- scband reference (transcript-rebuilt; emitter-appended) ---
"""Pipeline reference for scband-mtn-11261404250219 (READ-ONLY COPY).

The authoritative reference and input builder live on the scoring server;
editing this copy changes nothing except your own understanding.
"""

import jax, jax.numpy as jnp
import numpy as np

N_USER = 1000000
N_TITEM = 1000000
EMBED_DIM = 32
HIDDEN = 16
BATCH = 16384
# config.layers = 3 -> self.layers = 2 extra hidden Linear+ReLU blocks
MLP_DIMS = [(EMBED_DIM, HIDDEN), (HIDDEN, HIDDEN), (HIDDEN, HIDDEN), (HIDDEN, EMBED_DIM)]


def _init_mlp(key):
    params = []
    for i, (din, dout) in enumerate(MLP_DIMS):
        kw = jax.random.fold_in(key, 2 * i)
        kb = jax.random.fold_in(key, 2 * i + 1)
        W = jax.random.normal(kw, (din, dout), dtype=jnp.float32) * 0.05
        b = jax.random.normal(kb, (dout,), dtype=jnp.float32) * 0.01
        params.append((W, b))
    return params


def setup_inputs(seed: int = 0) -> dict:
    key = jax.random.key(seed)
    ks = jax.random.split(key, 7)
    user = jax.random.randint(ks[0], (BATCH,), 0, N_USER, dtype=jnp.int64) if jax.config.jax_enable_x64 else jax.random.randint(ks[0], (BATCH,), 0, N_USER)
    item = jax.random.randint(ks[1], (BATCH,), 0, N_TITEM)
    su_table = jax.random.normal(ks[2], (N_USER, EMBED_DIM), dtype=jnp.float32) * 0.05
    ti_table = jax.random.normal(ks[3], (N_TITEM, EMBED_DIM), dtype=jnp.float32) * 0.05
    mlp1 = _init_mlp(ks[4])
    mlp2 = _init_mlp(ks[5])
    mlp3 = _init_mlp(ks[6])
    return {"user": user, "item": item, "su_table": su_table, "ti_table": ti_table, "mlp1": mlp1, "mlp2": mlp2, "mlp3": mlp3}


def _mlp_apply(params, x):
    n = len(params)
    for i, (W, b) in enumerate(params):
        x = x @ W + b
        if i < n - 1:
            x = jax.nn.relu(x)
    return x


def reference(user, item, su_table, ti_table, mlp1, mlp2, mlp3):
    # MTN.prediction(user, item)
    u_embed = jnp.take(su_table, user, axis=0)
    i_embed = jnp.take(ti_table, item, axis=0)
    x1 = _mlp_apply(mlp1, u_embed)
    x2 = _mlp_apply(mlp2, u_embed)
    x3 = _mlp_apply(mlp3, u_embed)
    fu_embed = (1.0 / 3.0) * (x1 + x2 + x3)
    score = jnp.sum(fu_embed * i_embed, axis=1)
    return score

if __name__ == "__main__":
    import jax
    _d = setup_inputs()
    print(jax.jit(kernel)(*tuple(_d.values())))

</pallas_src>

<mosaic_0001>
#map = affine_map<(d0, d1) -> (0)>
#map1 = affine_map<(d0, d1) -> (0, 0)>
module attributes {stable_mosaic.version = 14 : i64} {
  func.func @_gather_body(%arg0: i32, %arg1: i32, %arg2: memref<16384xi32, #tpu.memory_space<hbm>>, %arg3: memref<16384xi32, #tpu.memory_space<hbm>>, %arg4: memref<1000000x32xf32, #tpu.memory_space<hbm>>, %arg5: memref<1000000x32xf32, #tpu.memory_space<hbm>>, %arg6: memref<16384x32xf32, #tpu.memory_space<hbm>>, %arg7: memref<16384x32xf32, #tpu.memory_space<hbm>>, %arg8: memref<512xi32, #tpu.memory_space<vmem>>, %arg9: memref<512xi32, #tpu.memory_space<vmem>>, %arg10: memref<512x32xf32, #tpu.memory_space<vmem>>, %arg11: memref<512x32xf32, #tpu.memory_space<vmem>>, %arg12: memref<!tpu.dma_semaphore, #tpu.memory_space<semaphore_mem>>, %arg13: memref<!tpu.dma_semaphore, #tpu.memory_space<semaphore_mem>>) attributes {dimension_semantics = [#tpu.dimension_semantics<core_parallel>, #tpu.dimension_semantics<subcore_parallel>], iteration_bounds = array<i64: 2, 16>, scalar_prefetch = 0 : i64, scratch_operands = 6 : i64, tpu.core_type = #tpu.core_type<sc_vector_subcore>, window_params = [{transform_indices = #map}, {transform_indices = #map}, {transform_indices = #map1}, {transform_indices = #map1}, {transform_indices = #map1}, {transform_indices = #map1}]} {
    %mul3A = arith.constant 2 : i32
    %mul3A_0 = arith.muli %arg1, %mul3A : i32
    %add3A = arith.addi %mul3A_0, %arg0 : i32
    %mul3A_1 = arith.constant 512 : i32
    %mul3A_2 = arith.muli %add3A, %mul3A_1 : i32
    "tpu.region"() ({
      %run_scoped3A = tpu.sem_alloc : memref<!tpu.dma_semaphore, #tpu.memory_space<semaphore_mem>>
      %dma_start3A_33 = tpu.memref_slice %arg2[%mul3A_2] : memref<16384xi32, #tpu.memory_space<hbm>> -> memref<512xi32, #tpu.memory_space<hbm>>
      %dma_start3A_34 = tpu.memref_slice %arg2[%mul3A_2] : memref<16384xi32, #tpu.memory_space<hbm>> -> memref<512xi32, #tpu.memory_space<hbm>>
      tpu.enqueue_dma source(%dma_start3A_34 : memref<512xi32, #tpu.memory_space<hbm>>) target(%arg8 : memref<512xi32, #tpu.memory_space<vmem>>) target_semaphore(%run_scoped3A : memref<!tpu.dma_semaphore, #tpu.memory_space<semaphore_mem>>)
      %dma_wait3A_35 = tpu.memref_slice %arg2[%mul3A_2] : memref<16384xi32, #tpu.memory_space<hbm>> -> memref<512xi32, #tpu.memory_space<hbm>>
      %dma_wait3A_36 = tpu.memref_slice %arg2[%mul3A_2] : memref<16384xi32, #tpu.memory_space<hbm>> -> memref<512xi32, #tpu.memory_space<hbm>>
      tpu.wait_dma2 semaphore(%run_scoped3A : memref<!tpu.dma_semaphore, #tpu.memory_space<semaphore_mem>>) src(%dma_wait3A_36 : memref<512xi32, #tpu.memory_space<hbm>>) dst(%arg8 : memref<512xi32, #tpu.memory_space<vmem>>)
      tpu.yield
    }) : () -> ()
    "tpu.region"() ({
      %run_scoped3A = tpu.sem_alloc : memref<!tpu.dma_semaphore, #tpu.memory_space<semaphore_mem>>
      %dma_start3A_33 = tpu.memref_slice %arg3[%mul3A_2] : memref<16384xi32, #tpu.memory_space<hbm>> -> memref<512xi32, #tpu.memory_space<hbm>>
      %dma_start3A_34 = tpu.memref_slice %arg3[%mul3A_2] : memref<16384xi32, #tpu.memory_space<hbm>> -> memref<512xi32, #tpu.memory_space<hbm>>
      tpu.enqueue_dma source(%dma_start3A_34 : memref<512xi32, #tpu.memory_space<hbm>>) target(%arg9 : memref<512xi32, #tpu.memory_space<vmem>>) target_semaphore(%run_scoped3A : memref<!tpu.dma_semaphore, #tpu.memory_space<semaphore_mem>>)
      %dma_wait3A_35 = tpu.memref_slice %arg3[%mul3A_2] : memref<16384xi32, #tpu.memory_space<hbm>> -> memref<512xi32, #tpu.memory_space<hbm>>
      %dma_wait3A_36 = tpu.memref_slice %arg3[%mul3A_2] : memref<16384xi32, #tpu.memory_space<hbm>> -> memref<512xi32, #tpu.memory_space<hbm>>
      tpu.wait_dma2 semaphore(%run_scoped3A : memref<!tpu.dma_semaphore, #tpu.memory_space<semaphore_mem>>) src(%dma_wait3A_36 : memref<512xi32, #tpu.memory_space<hbm>>) dst(%arg9 : memref<512xi32, #tpu.memory_space<vmem>>)
      tpu.yield
    }) : () -> ()
    %dma_start3A = arith.constant 0 : i32
    %dma_start3A_3 = arith.constant 0 : i32
    %dma_start3A_4 = tpu.memref_slice %arg10[%dma_start3A, %dma_start3A_3] : memref<512x32xf32, #tpu.memory_space<vmem>> -> memref<512x32xf32, #tpu.memory_space<vmem>>
    %dma_start3A_5 = arith.constant 0 : i32
    %dma_start3A_6 = tpu.memref_slice %arg8[%dma_start3A_5] : memref<512xi32, #tpu.memory_space<vmem>> -> memref<512xi32, #tpu.memory_space<vmem>>
    %dma_start3A_7 = arith.constant 0 : i32
    %dma_start3A_8 = arith.constant 0 : i32
    %dma_start3A_9 = tpu.memref_slice %arg4[%dma_start3A_7, %dma_start3A_8] : memref<1000000x32xf32, #tpu.memory_space<hbm>> -> memref<1000000x32xf32, #tpu.memory_space<hbm>>
    tpu.enqueue_indirect_dma source(%dma_start3A_9 : memref<1000000x32xf32, #tpu.memory_space<hbm>>) target(%dma_start3A_4 : memref<512x32xf32, #tpu.memory_space<vmem>>) offsets(%dma_start3A_6 : memref<512xi32, #tpu.memory_space<vmem>>) semaphore(%arg12 : memref<!tpu.dma_semaphore, #tpu.memory_space<semaphore_mem>>)
    %dma_start3A_10 = arith.constant 0 : i32
    %dma_start3A_11 = arith.constant 0 : i32
    %dma_start3A_12 = tpu.memref_slice %arg11[%dma_start3A_10, %dma_start3A_11] : memref<512x32xf32, #tpu.memory_space<vmem>> -> memref<512x32xf32, #tpu.memory_space<vmem>>
    %dma_start3A_13 = arith.constant 0 : i32
    %dma_start3A_14 = tpu.memref_slice %arg9[%dma_start3A_13] : memref<512xi32, #tpu.memory_space<vmem>> -> memref<512xi32, #tpu.memory_space<vmem>>
    %dma_start3A_15 = arith.constant 0 : i32
    %dma_start3A_16 = arith.constant 0 : i32
    %dma_start3A_17 = tpu.memref_slice %arg5[%dma_start3A_15, %dma_start3A_16] : memref<1000000x32xf32, #tpu.memory_space<hbm>> -> memref<1000000x32xf32, #tpu.memory_space<hbm>>
    tpu.enqueue_indirect_dma source(%dma_start3A_17 : memref<1000000x32xf32, #tpu.memory_space<hbm>>) target(%dma_start3A_12 : memref<512x32xf32, #tpu.memory_space<vmem>>) offsets(%dma_start3A_14 : memref<512xi32, #tpu.memory_space<vmem>>) semaphore(%arg13 : memref<!tpu.dma_semaphore, #tpu.memory_space<semaphore_mem>>)
    %dma_wait3A = arith.constant 0 : i32
    %dma_wait3A_18 = arith.constant 0 : i32
    %dma_wait3A_19 = tpu.memref_slice %arg10[%dma_wait3A, %dma_wait3A_18] : memref<512x32xf32, #tpu.memory_space<vmem>> -> memref<512x32xf32, #tpu.memory_space<vmem>>
    %dma_wait3A_20 = arith.constant 0 : i32
    %dma_wait3A_21 = tpu.memref_slice %arg8[%dma_wait3A_20] : memref<512xi32, #tpu.memory_space<vmem>> -> memref<512xi32, #tpu.memory_space<vmem>>
    %dma_wait3A_22 = arith.constant 0 : i32
    %dma_wait3A_23 = arith.constant 0 : i32
    %dma_wait3A_24 = tpu.memref_slice %arg4[%dma_wait3A_22, %dma_wait3A_23] : memref<1000000x32xf32, #tpu.memory_space<hbm>> -> memref<1000000x32xf32, #tpu.memory_space<hbm>>
    tpu.wait_indirect_dma semaphore(%arg12 : memref<!tpu.dma_semaphore, #tpu.memory_space<semaphore_mem>>) src(%dma_wait3A_24 : memref<1000000x32xf32, #tpu.memory_space<hbm>>) dst(%dma_wait3A_19 : memref<512x32xf32, #tpu.memory_space<vmem>>)
    %dma_wait3A_25 = arith.constant 0 : i32
    %dma_wait3A_26 = arith.constant 0 : i32
    %dma_wait3A_27 = tpu.memref_slice %arg11[%dma_wait3A_25, %dma_wait3A_26] : memref<512x32xf32, #tpu.memory_space<vmem>> -> memref<512x32xf32, #tpu.memory_space<vmem>>
    %dma_wait3A_28 = arith.constant 0 : i32
    %dma_wait3A_29 = tpu.memref_slice %arg9[%dma_wait3A_28] : memref<512xi32, #tpu.memory_space<vmem>> -> memref<512xi32, #tpu.memory_space<vmem>>
    %dma_wait3A_30 = arith.constant 0 : i32
    %dma_wait3A_31 = arith.constant 0 : i32
    %dma_wait3A_32 = tpu.memref_slice %arg5[%dma_wait3A_30, %dma_wait3A_31] : memref<1000000x32xf32, #tpu.memory_space<hbm>> -> memref<1000000x32xf32, #tpu.memory_space<hbm>>
    tpu.wait_indirect_dma semaphore(%arg13 : memref<!tpu.dma_semaphore, #tpu.memory_space<semaphore_mem>>) src(%dma_wait3A_32 : memref<1000000x32xf32, #tpu.memory_space<hbm>>) dst(%dma_wait3A_27 : memref<512x32xf32, #tpu.memory_space<vmem>>)
    "tpu.region"() ({
      %run_scoped3A = tpu.sem_alloc : memref<!tpu.dma_semaphore, #tpu.memory_space<semaphore_mem>>
      %dma_start3A_33 = arith.constant 0 : i32
      %dma_start3A_34 = tpu.memref_slice %arg6[%mul3A_2, %dma_start3A_33] : memref<16384x32xf32, #tpu.memory_space<hbm>> -> memref<512x32xf32, #tpu.memory_space<hbm>>
      %dma_start3A_35 = arith.constant 0 : i32
      %dma_start3A_36 = tpu.memref_slice %arg6[%mul3A_2, %dma_start3A_35] : memref<16384x32xf32, #tpu.memory_space<hbm>> -> memref<512x32xf32, #tpu.memory_space<hbm>>
      tpu.enqueue_dma source(%arg10 : memref<512x32xf32, #tpu.memory_space<vmem>>) target(%dma_start3A_36 : memref<512x32xf32, #tpu.memory_space<hbm>>) target_semaphore(%run_scoped3A : memref<!tpu.dma_semaphore, #tpu.memory_space<semaphore_mem>>)
      %dma_wait3A_37 = arith.constant 0 : i32
      %dma_wait3A_38 = tpu.memref_slice %arg6[%mul3A_2, %dma_wait3A_37] : memref<16384x32xf32, #tpu.memory_space<hbm>> -> memref<512x32xf32, #tpu.memory_space<hbm>>
      %dma_wait3A_39 = arith.constant 0 : i32
      %dma_wait3A_40 = tpu.memref_slice %arg6[%mul3A_2, %dma_wait3A_39] : memref<16384x32xf32, #tpu.memory_space<hbm>> -> memref<512x32xf32, #tpu.memory_space<hbm>>
      tpu.wait_dma2 semaphore(%run_scoped3A : memref<!tpu.dma_semaphore, #tpu.memory_space<semaphore_mem>>) src(%arg10 : memref<512x32xf32, #tpu.memory_space<vmem>>) dst(%dma_wait3A_40 : memref<512x32xf32, #tpu.memory_space<hbm>>)
      tpu.yield
    }) : () -> ()
    "tpu.region"() ({
      %run_scoped3A = tpu.sem_alloc : memref<!tpu.dma_semaphore, #tpu.memory_space<semaphore_mem>>
      %dma_start3A_33 = arith.constant 0 : i32
      %dma_start3A_34 = tpu.memref_slice %arg7[%mul3A_2, %dma_start3A_33] : memref<16384x32xf32, #tpu.memory_space<hbm>> -> memref<512x32xf32, #tpu.memory_space<hbm>>
      %dma_start3A_35 = arith.constant 0 : i32
      %dma_start3A_36 = tpu.memref_slice %arg7[%mul3A_2, %dma_start3A_35] : memref<16384x32xf32, #tpu.memory_space<hbm>> -> memref<512x32xf32, #tpu.memory_space<hbm>>
      tpu.enqueue_dma source(%arg11 : memref<512x32xf32, #tpu.memory_space<vmem>>) target(%dma_start3A_36 : memref<512x32xf32, #tpu.memory_space<hbm>>) target_semaphore(%run_scoped3A : memref<!tpu.dma_semaphore, #tpu.memory_space<semaphore_mem>>)
      %dma_wait3A_37 = arith.constant 0 : i32
      %dma_wait3A_38 = tpu.memref_slice %arg7[%mul3A_2, %dma_wait3A_37] : memref<16384x32xf32, #tpu.memory_space<hbm>> -> memref<512x32xf32, #tpu.memory_space<hbm>>
      %dma_wait3A_39 = arith.constant 0 : i32
      %dma_wait3A_40 = tpu.memref_slice %arg7[%mul3A_2, %dma_wait3A_39] : memref<16384x32xf32, #tpu.memory_space<hbm>> -> memref<512x32xf32, #tpu.memory_space<hbm>>
      tpu.wait_dma2 semaphore(%run_scoped3A : memref<!tpu.dma_semaphore, #tpu.memory_space<semaphore_mem>>) src(%arg11 : memref<512x32xf32, #tpu.memory_space<vmem>>) dst(%dma_wait3A_40 : memref<512x32xf32, #tpu.memory_space<hbm>>)
      tpu.yield
    }) : () -> ()
    return
  }
}

module attributes {stable_mosaic.version = 14 : i64} {
  func.func @_mlp_body(%arg0: i32, %arg1: memref<2048x32xf32, #tpu.memory_space<vmem>>, %arg2: memref<2048x32xf32, #tpu.memory_space<vmem>>, %arg3: memref<32x48xf32, #tpu.memory_space<vmem>>, %arg4: memref<1x48xf32, #tpu.memory_space<vmem>>, %arg5: memref<48x48xf32, #tpu.memory_space<vmem>>, %arg6: memref<1x48xf32, #tpu.memory_space<vmem>>, %arg7: memref<48x48xf32, #tpu.memory_space<vmem>>, %arg8: memref<1x48xf32, #tpu.memory_space<vmem>>, %arg9: memref<48x32xf32, #tpu.memory_space<vmem>>, %arg10: memref<1x32xf32, #tpu.memory_space<vmem>>, %arg11: memref<2048x1xf32, #tpu.memory_space<vmem>>) attributes {dimension_semantics = [#tpu.dimension_semantics<arbitrary>], iteration_bounds = array<i64: 8>, scalar_prefetch = 0 : i64, scratch_operands = 0 : i64, tpu.core_type = #tpu.core_type<tc>, window_params = [{transform_indices = @transform_0, window_bounds = array<i64: 2048, 32>}, {transform_indices = @transform_1, window_bounds = array<i64: 2048, 32>}, {pipeline_mode = #tpu.pipeline_mode<synchronous>, transform_indices = @transform_2, window_bounds = array<i64: 32, 48>}, {pipeline_mode = #tpu.pipeline_mode<synchronous>, transform_indices = @transform_3, window_bounds = array<i64: 1, 48>}, {pipeline_mode = #tpu.pipeline_mode<synchronous>, transform_indices = @transform_4, window_bounds = array<i64: 48, 48>}, {pipeline_mode = #tpu.pipeline_mode<synchronous>, transform_indices = @transform_5, window_bounds = array<i64: 1, 48>}, {pipeline_mode = #tpu.pipeline_mode<synchronous>, transform_indices = @transform_6, window_bounds = array<i64: 48, 48>}, {pipeline_mode = #tpu.pipeline_mode<synchronous>, transform_indices = @transform_7, window_bounds = array<i64: 1, 48>}, {pipeline_mode = #tpu.pipeline_mode<synchronous>, transform_indices = @transform_8, window_bounds = array<i64: 48, 32>}, {pipeline_mode = #tpu.pipeline_mode<synchronous>, transform_indices = @transform_9, window_bounds = array<i64: 1, 32>}, {transform_indices = @transform_10, window_bounds = array<i64: 2048, 1>}]} {
    %get3A = arith.constant 0 : index
    %get3A_0 = arith.constant 0 : index
    %get3A_1 = vector.load %arg1[%get3A, %get3A_0] : memref<2048x32xf32, #tpu.memory_space<vmem>>, vector<2048x32xf32>
    %get3A_2 = arith.constant 0 : index
    %get3A_3 = arith.constant 0 : index
    %get3A_4 = vector.load %arg3[%get3A_2, %get3A_3] : memref<32x48xf32, #tpu.memory_space<vmem>>, vector<32x48xf32>
    %dot_general3A = arith.constant dense<0.000000e+00> : vector<2048x48xf32>
    %dot_general3A_5 = tpu.matmul %get3A_1, %get3A_4, %dot_general3A {dimension_numbers = #tpu.dot_dimension_numbers<[1], [0], [0], [1], [0, 0, 1, 1], [], []>, transpose_lhs_hint = false} : vector<2048x32xf32>, vector<32x48xf32>, vector<2048x48xf32> -> vector<2048x48xf32>
    %get3A_6 = arith.constant 0 : index
    %get3A_7 = arith.constant 0 : index
    %get3A_8 = vector.load %arg4[%get3A_6, %get3A_7] : memref<1x48xf32, #tpu.memory_space<vmem>>, vector<1x48xf32>
    %add3A = vector.broadcast %get3A_8 : vector<1x48xf32> to vector<2048x48xf32>
    %add3A_9 = arith.addf %dot_general3A_5, %add3A : vector<2048x48xf32>
    %max3A = arith.constant 0.000000e+00 : f32
    %max3A_10 = vector.broadcast %max3A : f32 to vector<2048x48xf32>
    %max3A_11 = arith.maximumf %add3A_9, %max3A_10 : vector<2048x48xf32>
    %get3A_12 = arith.constant 0 : index
    %get3A_13 = arith.constant 0 : index
    %get3A_14 = vector.load %arg5[%get3A_12, %get3A_13] : memref<48x48xf32, #tpu.memory_space<vmem>>, vector<48x48xf32>
    %dot_general3A_15 = arith.constant dense<0.000000e+00> : vector<2048x48xf32>
    %dot_general3A_16 = tpu.matmul %max3A_11, %get3A_14, %dot_general3A_15 {dimension_numbers = #tpu.dot_dimension_numbers<[1], [0], [0], [1], [0, 0, 1, 1], [], []>, transpose_lhs_hint = false} : vector<2048x48xf32>, vector<48x48xf32>, vector<2048x48xf32> -> vector<2048x48xf32>
    %get3A_17 = arith.constant 0 : index
    %get3A_18 = arith.constant 0 : index
    %get3A_19 = vector.load %arg6[%get3A_17, %get3A_18] : memref<1x48xf32, #tpu.memory_space<vmem>>, vector<1x48xf32>
    %add3A_20 = vector.broadcast %get3A_19 : vector<1x48xf32> to vector<2048x48xf32>
    %add3A_21 = arith.addf %dot_general3A_16, %add3A_20 : vector<2048x48xf32>
    %max3A_22 = arith.constant 0.000000e+00 : f32
    %max3A_23 = vector.broadcast %max3A_22 : f32 to vector<2048x48xf32>
    %max3A_24 = arith.maximumf %add3A_21, %max3A_23 : vector<2048x48xf32>
    %get3A_25 = arith.constant 0 : index
    %get3A_26 = arith.constant 0 : index
    %get3A_27 = vector.load %arg7[%get3A_25, %get3A_26] : memref<48x48xf32, #tpu.memory_space<vmem>>, vector<48x48xf32>
    %dot_general3A_28 = arith.constant dense<0.000000e+00> : vector<2048x48xf32>
    %dot_general3A_29 = tpu.matmul %max3A_24, %get3A_27, %dot_general3A_28 {dimension_numbers = #tpu.dot_dimension_numbers<[1], [0], [0], [1], [0, 0, 1, 1], [], []>, transpose_lhs_hint = false} : vector<2048x48xf32>, vector<48x48xf32>, vector<2048x48xf32> -> vector<2048x48xf32>
    %get3A_30 = arith.constant 0 : index
    %get3A_31 = arith.constant 0 : index
    %get3A_32 = vector.load %arg8[%get3A_30, %get3A_31] : memref<1x48xf32, #tpu.memory_space<vmem>>, vector<1x48xf32>
    %add3A_33 = vector.broadcast %get3A_32 : vector<1x48xf32> to vector<2048x48xf32>
    %add3A_34 = arith.addf %dot_general3A_29, %add3A_33 : vector<2048x48xf32>
    %max3A_35 = arith.constant 0.000000e+00 : f32
    %max3A_36 = vector.broadcast %max3A_35 : f32 to vector<2048x48xf32>
    %max3A_37 = arith.maximumf %add3A_34, %max3A_36 : vector<2048x48xf32>
    %get3A_38 = arith.constant 0 : index
    %get3A_39 = arith.constant 0 : index
    %get3A_40 = vector.load %arg9[%get3A_38, %get3A_39] : memref<48x32xf32, #tpu.memory_space<vmem>>, vector<48x32xf32>
    %dot_general3A_41 = arith.constant dense<0.000000e+00> : vector<2048x32xf32>
    %dot_general3A_42 = tpu.matmul %max3A_37, %get3A_40, %dot_general3A_41 {dimension_numbers = #tpu.dot_dimension_numbers<[1], [0], [0], [1], [0, 0, 1, 1], [], []>, transpose_lhs_hint = false} : vector<2048x48xf32>, vector<48x32xf32>, vector<2048x32xf32> -> vector<2048x32xf32>
    %get3A_43 = arith.constant 0 : index
    %get3A_44 = arith.constant 0 : index
    %get3A_45 = vector.load %arg10[%get3A_43, %get3A_44] : memref<1x32xf32, #tpu.memory_space<vmem>>, vector<1x32xf32>
    %add3A_46 = vector.broadcast %get3A_45 : vector<1x32xf32> to vector<2048x32xf32>
    %add3A_47 = arith.addf %dot_general3A_42, %add3A_46 : vector<2048x32xf32>
    %get3A_48 = arith.constant 0 : index
    %get3A_49 = arith.constant 0 : index
    %get3A_50 = vector.load %arg2[%get3A_48, %get3A_49] : memref<2048x32xf32, #tpu.memory_space<vmem>>, vector<2048x32xf32>
    %mul3A = arith.mulf %add3A_47, %get3A_50 : vector<2048x32xf32>
    %reduce_sum3A = arith.constant dense<0.000000e+00> : vector<2048xf32>
    %reduce_sum3A_51 = vector.multi_reduction <add>, %mul3A, %reduce_sum3A [1] : vector<2048x32xf32> to vector<2048xf32>
    %broadcast_in_dim3A = vector.shape_cast %reduce_sum3A_51 : vector<2048xf32> to vector<2048x1xf32>
    %mul3A_52 = arith.constant 0.333333343 : f32
    %mul3A_53 = vector.broadcast %mul3A_52 : f32 to vector<2048x1xf32>
    %mul3A_54 = arith.mulf %broadcast_in_dim3A, %mul3A_53 : vector<2048x1xf32>
    %swap3A = arith.constant 0 : index
    %swap3A_55 = arith.constant 0 : index
    %swap3A_56 = vector.load %arg11[%swap3A, %swap3A_55] : memref<2048x1xf32, #tpu.memory_space<vmem>>, vector<2048x1xf32>
    tpu.vector_store %arg11[%swap3A, %swap3A_55], %mul3A_54 {strides = array<i32>} : memref<2048x1xf32, #tpu.memory_space<vmem>>, vector<2048x1xf32>,
    return
  }
  func.func @transform_0(%arg0: i32) -> (i32, i32) {
    %c0_i32 = arith.constant 0 : i32
    %c0_i32_0 = arith.constant 0 : i32
    return %arg0, %c0_i32 : i32, i32
  }
  func.func @transform_1(%arg0: i32) -> (i32, i32) {
    %c0_i32 = arith.constant 0 : i32
    %c0_i32_0 = arith.constant 0 : i32
    return %arg0, %c0_i32 : i32, i32
  }
  func.func @transform_2(%arg0: i32) -> (i32, i32) {
    %c0_i32 = arith.constant 0 : i32
    %c0_i32_0 = arith.constant 0 : i32
    %c0_i32_1 = arith.constant 0 : i32
    return %c0_i32, %c0_i32_0 : i32, i32
  }
  func.func @transform_3(%arg0: i32) -> (i32, i32) {
    %c0_i32 = arith.constant 0 : i32
    %c0_i32_0 = arith.constant 0 : i32
    %c0_i32_1 = arith.constant 0 : i32
    return %c0_i32, %c0_i32_0 : i32, i32
  }
  func.func @transform_4(%arg0: i32) -> (i32, i32) {
    %c0_i32 = arith.constant 0 : i32
    %c0_i32_0 = arith.constant 0 : i32
    %c0_i32_1 = arith.constant 0 : i32
    return %c0_i32, %c0_i32_0 : i32, i32
  }
  func.func @transform_5(%arg0: i32) -> (i32, i32) {
    %c0_i32 = arith.constant 0 : i32
    %c0_i32_0 = arith.constant 0 : i32
    %c0_i32_1 = arith.constant 0 : i32
    return %c0_i32, %c0_i32_0 : i32, i32
  }
  func.func @transform_6(%arg0: i32) -> (i32, i32) {
    %c0_i32 = arith.constant 0 : i32
    %c0_i32_0 = arith.constant 0 : i32
    %c0_i32_1 = arith.constant 0 : i32
    return %c0_i32, %c0_i32_0 : i32, i32
  }
  func.func @transform_7(%arg0: i32) -> (i32, i32) {
    %c0_i32 = arith.constant 0 : i32
    %c0_i32_0 = arith.constant 0 : i32
    %c0_i32_1 = arith.constant 0 : i32
    return %c0_i32, %c0_i32_0 : i32, i32
  }
  func.func @transform_8(%arg0: i32) -> (i32, i32) {
    %c0_i32 = arith.constant 0 : i32
    %c0_i32_0 = arith.constant 0 : i32
    %c0_i32_1 = arith.constant 0 : i32
    return %c0_i32, %c0_i32_0 : i32, i32
  }
  func.func @transform_9(%arg0: i32) -> (i32, i32) {
    %c0_i32 = arith.constant 0 : i32
    %c0_i32_0 = arith.constant 0 : i32
    %c0_i32_1 = arith.constant 0 : i32
    return %c0_i32, %c0_i32_0 : i32, i32
  }
  func.func @transform_10(%arg0: i32) -> (i32, i32) {
    %c0_i32 = arith.constant 0 : i32
    %c0_i32_0 = arith.constant 0 : i32
    return %arg0, %c0_i32 : i32, i32
  }
}

</mosaic_0001>

<sc_bundles>
// kernel: kernel.4.cloned.1.call-start
scs
__scs_entry_jumppad:
0x0: {  	(pc) =	sbr.rel $0x88, $3  }
0x1: {  	(tag) =	ssettag $0x0;
	lr =	simm.s32 $0x1  }
0x2: {  	[smem:$0x3F85] =	sst lr;
	_ =	strace $0xD0000000  }
0x3: {  	_ = 	snop  }
0x4: {  	_ = 	snop  }
0x5: {  	_ = 	snop  }
0x6: {  	_ = 	snop  }
0x7: {  	_ = 	snop  }
__scs_overlays_trampoline_lowered:
0x8: {  	[smem:$0x3F94] =	sst s0  }
0x9: {  	[smem:$0x3F95] =	sst s1  }
0xa: {  	[smem:$0x3F96] =	sst s2  }
0xb: {  	[smem:$0x3F97] =	sst s3  }
0xc: {  	[smem:$0x3F98] =	sst s4  }
0xd: {  	[smem:$0x3F99] =	sst s5  }
0xe: {  	[smem:$0x3F9A] =	sst s6  }
0xf: {  	[smem:$0x3F9B] =	sst s7  }
0x10: {  	[smem:$0x3F9C] =	sst s8  }
0x11: {  	[smem:$0x3F9D] =	sst s9;
	s0 =	simm.s32 @!p0 $0x0  }
0x12: {  	s1 =	sld [smem:$0x3F83];
	s0 =	simm.s32 @p0 $0x1  }
0x13: {  	[smem:$0x3F9E] =	sst s0;
	s0 =	simm.s32 @!p1 $0x0  }
0x14: {  	s2 =	sld [smem:$0x3F82];
	s0 =	simm.s32 @p1 $0x1  }
0x15: {  	[smem:$0x3F9F] =	sst s0;
	s0 =	simm.s32 @!p2 $0x0  }
0x16: {  	s3 =	sld [smem:$0x3FDB];
	s0 =	simm.s32 @p2 $0x1  }
0x17: {  	s4 =	simm.s32 $0x1BF5;
	[smem:$0x3FA1] =	sst s0  }
0x18: {  	s0 =	sld [smem:$0x3F84];
	_ =	swait.ge [sflag:s4], $0x0  }
0x19: {  	s7 =	sld [smem:$0x3F85]  }
0x1a: {  	s8 =	sadd.s32 $0xFFFFE003, lr  }
0x1b: {  	s9 =	sadd.s32 $0xFFFFFEF7, lr;
	s5 =	simm.s32 $0xFFFFFFFF;
	p2 =	slt.u32 s8, $0xFFFFF086  }
0x1c: {  	p1 =	slt.u32 s9, $0xF7A;
	s5 =	simm.s32 @!p2 $0x0  }
0x1d: {  	s5 =	simm.s32 @p1 $0x1;
	p0 =	seq.s32 s7, s2  }
0x1e: {  	s7 =	smul.u32 @!p0 $0xF7A, s2;
	p2 =	seq.s32 @!p0 s5, $0x0  }
0x1f: {  	s9 =	smul.u32 $0xF7A, s1;
	s8 =	simm.s32 @!p0 $0x1BF5;
	p2 =	por !p2, p0  }
0x20: {  	[sflag:s8] =	ssyncset.s32 @!p0 $0xFFFFF086;
	s6 =	sadd.s32 @!p0 s3, s7;
	s7 =	simm.s32 @!p0 $0x108  }
0x21: {  	s3 =	sadd.s32 s3, s9;
	s6 =	sadd.s32 @!p0 $0x88, s6;
	s7 =	simm.s32 @p2 $0x1082  }
0x22: {  	[simem:s7], [sflag:s8] =	dma.local @!p0 [hbm:s6], $0xF7A  }
0x23: {  	s9 =	sor.u32 $0xD0000000, s2;
	s6 =	simm.s32 $0x108;
	_ =	swait.ge @!p0 [sflag:s8], $0x0  }
0x24: {  	s3 =	sadd.s32 $0x88, s3;
	s6 =	simm.s32 @!p1 $0x1082;
	[sflag:s4] =	ssyncset.s32 $0xFFFFF086  }
0x25: {  	[simem:s6], [sflag:s4] =	dma.local [hbm:s3], $0xF7A  }
0x26: {  	[smem:$0x3F85] =	sst s1;
	(tag) =	ssettag s2;
	_ =	strace s9  }
0x27: {  	s1 =	sld [smem:$0x3F95]  }
0x28: {  	s2 =	sld [smem:$0x3F96]  }
0x29: {  	s4 =	sld [smem:$0x3F98]  }
0x2a: {  	p0 =	seq.s32 s5, $0x0;
	s5 =	sld [smem:$0x3F99]  }
0x2b: {  	s6 =	sld [smem:$0x3F9A]  }
0x2c: {  	s7 =	sld [smem:$0x3F9B]  }
0x2d: {  	s3 =	simm.s32 $0x108;
	s8 =	sld [smem:$0x3F9C]  }
0x2e: {  	s3 =	simm.s32 @!p0 $0x1082;
	s9 =	sld [smem:$0x3F9D]  }
0x2f: {  	lr =	sadd.s32 s0, s3;
	s0 =	sld [smem:$0x3F94]  }
0x30: {  	s3 =	sld [smem:$0x3F97]  }
0x31: {  	[smem:$0x3FA0] =	sst s10  }
0x32: {  	s10 =	sld [smem:$0x3F9E];
	_ =	sdelay $0x3  }
0x33: {  	p0 =	seq.s32 s10, $0x1;
	s10 =	sld [smem:$0x3FA0];
	_ =	sdelay $0x3  }
0x34: {  	[smem:$0x3FA0] =	sst s10  }
0x35: {  	s10 =	sld [smem:$0x3F9F];
	_ =	sdelay $0x3  }
0x36: {  	p1 =	seq.s32 s10, $0x1;
	s10 =	sld [smem:$0x3FA0];
	_ =	sdelay $0x3  }
0x37: {  	[smem:$0x3FA0] =	sst s10  }
0x38: {  	s10 =	sld [smem:$0x3FA1]  }
0x39: {  	_ = 	snop;
	(pc) =	sbr.ind lr, $3  }
0x3a: {  	_ = 	snop  }
0x3b: {  	_ = 	snop  }
0x3c: {  	p2 =	seq.s32 s10, $0x1;
	s10 =	sld [smem:$0x3FA0]  }
0x3d: {  	_ =	shalt  }
0x3e: {  	_ =	shalt  }
0x3f: {  	_ =	shalt  }
0x40: {  	_ =	shalt  }
0x41: {  	_ =	shalt  }
0x42: {  	_ =	shalt  }
0x43: {  	_ =	shalt  }
0x44: {  	_ =	shalt  }
0x45: {  	_ =	shalt  }
0x46: {  	_ =	shalt  }
0x47: {  	_ =	shalt  }
0x48: {  	_ =	shalt  }
0x49: {  	_ =	shalt  }
0x4a: {  	_ =	shalt  }
0x4b: {  	_ =	shalt  }
0x4c: {  	_ =	shalt  }
0x4d: {  	_ =	shalt  }
0x4e: {  	_ =	shalt  }
0x4f: {  	_ =	shalt  }
0x50: {  	_ =	shalt  }
0x51: {  	_ =	shalt  }
0x52: {  	_ =	shalt  }
0x53: {  	_ =	shalt  }
0x54: {  	_ =	shalt  }
0x55: {  	_ =	shalt  }
0x56: {  	_ =	shalt  }
0x57: {  	_ =	shalt  }
0x58: {  	_ =	shalt  }
0x59: {  	_ =	shalt  }
0x5a: {  	_ =	shalt  }
0x5b: {  	_ =	shalt  }
0x5c: {  	_ =	shalt  }
0x5d: {  	_ =	shalt  }
0x5e: {  	_ =	shalt  }
0x5f: {  	_ =	shalt  }
0x60: {  	_ =	shalt  }
0x61: {  	_ =	shalt  }
0x62: {  	_ =	shalt  }
0x63: {  	_ =	shalt  }
0x64: {  	_ =	shalt  }
0x65: {  	_ =	shalt  }
0x66: {  	_ =	shalt  }
0x67: {  	_ =	shalt  }
0x68: {  	_ =	shalt  }
0x69: {  	_ =	shalt  }
0x6a: {  	_ =	shalt  }
0x6b: {  	_ =	shalt  }
0x6c: {  	_ =	shalt  }
0x6d: {  	_ =	shalt  }
0x6e: {  	_ =	shalt  }
0x6f: {  	_ =	shalt  }
0x70: {  	_ =	shalt  }
0x71: {  	_ =	shalt  }
0x72: {  	_ =	shalt  }
0x73: {  	_ =	shalt  }
0x74: {  	_ =	shalt  }
0x75: {  	_ =	shalt  }
0x76: {  	_ =	shalt  }
0x77: {  	_ =	shalt  }
0x78: {  	_ =	shalt  }
0x79: {  	_ =	shalt  }
0x7a: {  	_ =	shalt  }
0x7b: {  	_ =	shalt  }
0x7c: {  	_ =	shalt  }
0x7d: {  	_ =	shalt  }
0x7e: {  	_ =	shalt  }
0x7f: {  	_ =	shalt  }
0x80: {  	_ =	shalt  }
0x81: {  	_ =	shalt  }
0x82: {  	_ =	shalt  }
0x83: {  	_ =	shalt  }
0x84: {  	_ =	shalt  }
0x85: {  	_ =	shalt  }
0x86: {  	_ =	shalt  }
0x87: {  	_ =	shalt  }
.Lfunc_end0:
.L_simem_size_0:
called_computation_lowered:
.L_overlay_start_0:
0x88: {  	s2 =	sld [smem:$0x3FD9]  }
0x89: {  	s3 =	sld [smem:$0x3FFE];
	_ =	sdelay $0x1  }
0x8a: {  	s1 =	srdreg.scid  }
0x8b: {  	s0 =	sand.u32 $0x1, s1  }
0x8c: {  	s17 =	sshll.u32 s0, $0xA;
	s2 =	sadd.s32 s3, s2  }
0x8d: {  	s2 =	sadd.s32 s2, s17  }
0x8e: {  	[smem:$0x3FAC] =	sst s2  }
0x8f: {  	_ = 	snop  }
0x90: {  	s2 =	sld [smem:$0x3FC9]  }
0x91: {  	s18 =	sld [smem:$0x3FC8];
	(tm) =	ssettm $0x1  }
0x92: {  	s4 =	sld [smem:$0x3FFB];
	_ =	sdelay $0x3  }
0x93: {  	_ =	strace s4  }
0x94: {  	s4 =	sld [smem:$0x3FFC];
	_ =	sdelay $0x3  }
0x95: {  	_ =	strace s4  }
0x96: {  	s4 =	sld [smem:$0x3FFD];
	_ =	sdelay $0x3  }
0x97: {  	_ =	strace s4  }
0x98: {  	_ =	strace $0x8FFFFFFF  }
0x99: {  	s19 =	sld [smem:$0x3FDB];
	_ =	sdelay $0x1  }
0x9a: {  	s5 =	simm.s32 $_scs_section_size  }
0x9b: {  	s6 =	simm.s32 $_size__tile_overlayer_lowered;
	s7 =	simm.s32 $_tile_overlayer_lowered  }
0x9c: {  	s22 =	simm.s32 $0x1BFF;
	s21 =	sshll.u32 s7, $0x1;
	s4 =	sadd.s32 s5, s19  }
0x9d: {  	s8 =	simm.s32 $0x0;
	s20 =	sshll.u32 s6, $0x1;
	s6 =	sadd.s32 s21, s4  }
0x9e: {  	[timem:s8], [sflag:s22] =	dma.local [hbm:s6], s20  }
0x9f: {  	_ =	swait.ge [sflag:s22], s20  }
0xa0: {  	s5 =	ssub.s32 $0x0, s20;
	[sflag:s22] =	ssyncset.done $0x0  }
0xa1: {  	[sflag:s22] =	ssyncadd.s32 s5;
	_ =	sdelay $0x1  }
0xa2: {  	s23 =	simm.s32 $0x1B8B  }
0xa3: {  	_ =	swait.ge [sflag:s23], $0x1  }
0xa4: {  	[sflag:s23] =	ssyncset.done $0x0  }
0xa5: {  	s25 =	simm.s32 $0x1B8E;
	s24 =	sld [smem:$0x3FFE];
	[sflag:s23] =	ssyncadd.s32 $0xFFFFFFFF  }
0xa6: {  	s26 =	simm.s32 $execute0_lowered;
	[smem:$0x3FD2] =	sst s25  }
0xa7: {  	s6 =	sshll.u32 s26, $0x1;
	_ =	strace $0x80000046;
	[dreg:$0x1] =	wrdreg $0xFFFFFFFF  }
0xa8: {  	s28 =	simm.s32 $_size_execute0_lowered;
	s4 =	sadd.s32 s4, s6;
	[dreg:$0x0] =	wrdreg $0x0  }
0xa9: {  	s6 =	sshll.u32 s28, $0x1;
	[dreg:$0x2] =	wrdreg s4  }
0xaa: {  	[dreg:$0x3] =	wrdreg s6  }
0xab: {  	[dreg:$0x4] =	wrdreg $0xC0  }
0xac: {  	_ =	task [dreg:s8], $0x5FFFF  }
0xad: {  	[dreg:$0x1] =	wrdreg $0xFFFFFFFF  }
0xae: {  	[dreg:$0x0] =	wrdreg $0x60  }
0xaf: {  	[dreg:$0x2] =	wrdreg s2  }
0xb0: {  	[dreg:$0x3] =	wrdreg s18  }
0xb1: {  	[dreg:$0x4] =	wrdreg s24  }
0xb2: {  	[dreg:$0x5] =	wrdreg $0x9  }
0xb3: {  	_ =	task.clear_ibuf [dreg:s8], $0x6FFFF;
	_ =	strace $0x90000046  }
0xb4: {  	s29 =	simm.s32 $0x9;
	_ =	strace $0x80000048  }
0xb5: {  	_ =	swait.ge [sflag:s29], $0x1  }
0xb6: {  	[sflag:s29] =	ssyncadd.s32 $0xFFFFFFFF  }
0xb7: {  	_ =	strace $0x90000048  }
0xb8: {  	_ =	sfence  }
0xb9: {  	s30 =	sld [smem:$0x0];
	_ =	sdelay $0x2  }
0xba: {  	s31 =	sshll.u32 s1, $0xD;
	s1 =	sshrl.u32 s1, $0x2  }
0xbb: {  	s3 =	sand.u32 $0x4000, s31;
	s1 =	sadd.s32 s1, s30  }
0xbc: {  	s0 =	sor.u32 s3, s0;
	s1 =	sshll.u32 s1, $0x11  }
0xbd: {  	s0 =	sor.u32 s1, s0  }
0xbe: {  	s0 =	sadd.s32 $0x8F2B, s0  }
0xbf: {  	[sflag:s0] =	ssyncadd.remote.s32 $0x1  }
0xc0: {  	_ =	sfence.sel $0xFFFF  }
0xc1: {  	[dreg:$0x0] =	wrdreg $0xFFFFFFFF;
	(pc) =	sbr.abs _section_cstart, $3  }
0xc2: {  	[dreg:$0x1] =	wrdreg $0xFFFFFFFF  }
0xc3: {  	_ =	task.clear_ibuf [dreg:s8], $0x2FFFF;
	_ =	strace $0x9FFFFFFF  }
0xc4: {  	(tm) =	ssettm $0x7FFFFFFF  }
0xc5: {  	_ =	shalt  }
tec
execute0_lowered:
.L_overlay_start_1:
0x0: {  	(tag) =	ssettag $0x1  }
0x1: {  	s3 =	rddreg [dreg:$0x0];
	s1 =	srdreg.scid  }
0x2: {  	s5 =	rddreg [dreg:$0x1];
	s0 =	stileid.u32;
	s13 =	sand.u32 $0x1, s1  }
0x3: {  	s14 =	rddreg [dreg:$0x2];
	s4 =	sshll.u32 s0, $0xA;
	s6 =	sshll.u32 s13, $0x9  }
0x4: {  	s2 =	simm.s32 $0x0;
	s1 =	rddreg [dreg:$0x3];
	s15 =	sor.u32 s6, s4  }
0x5: {  	[smem:$0x7FF] =	sst s2;
	s6 =	sshrl.u32 s15, $0x3  }
0x6: {  	_ =	strace $0x80000047;
	s4 =	sadd.s32 s3, s6;
	s3 =	simm.s32 $0x3  }
0x7: {  	[tilespmem:s2], [sflag:$0x3] =	stream.linear.gather [hbm4b:s4+s2], $0x200, $0x38;
	[tilespmem:$0x8400] =	vst v63  }
0x8: {  	_ =	swait.ge [sflag:s3], $0x200  }
0x9: {  	[sflag:s3] =	ssyncset.done $0x0  }
0xa: {  	s5 =	sadd.s32 s5, s6;
	s6 =	simm.s32 $0x200;
	[sflag:s3] =	ssyncadd.s32 $0xFFFFFE00  }
0xb: {  	[tilespmem:s6], [sflag:$0x3] =	stream.linear.gather [hbm4b:s5+s2], $0x200, $0x38;
	[tilespmem:$0x8400] =	vst v63  }
0xc: {  	_ =	swait.ge [sflag:s3], $0x200  }
0xd: {  	[sflag:s3] =	ssyncset.done $0x0  }
0xe: {  	s8 =	simm.s32 $0x400;
	s7 =	sadd.s32 $0x1316600, s14;
	[sflag:s3] =	ssyncadd.s32 $0xFFFFFE00  }
0xf: {  	[tilespmem:s8], [sflag:$0x1] =	stream.indirect.gather [hbm4b:s7+s6], $0x20, s2, s6, $0xb8;
	[tilespmem:$0x8400] =	vst v63  }
0x10: {  	s10 =	simm.s32 $0x4400;
	s11 =	simm.s32 $0x1;
	s9 =	sadd.s32 $0xF45C00, s14  }
0x11: {  	[tilespmem:s10], [sflag:$0x2] =	stream.indirect.gather [hbm4b:s9+s6], $0x20, s6, s6, $0xb8;
	[tilespmem:$0x8400] =	vst v63  }
0x12: {  	_ =	swait.ge [sflag:s11], $0x4000  }
0x13: {  	[sflag:s11] =	ssyncset.done $0x0  }
0x14: {  	s12 =	simm.s32 $0x2;
	s31 =	ssub.s32 $0x2, s13;
	[sflag:s11] =	ssyncadd.s32 $0xFFFFC000  }
0x15: {  	s16 =	sshrl.u32 s31, $0x1;
	s15 =	sshll.u32 s15, $0x2;
	_ =	swait.ge [sflag:s12], $0x4000  }
0x16: {  	s14 =	sadd.s32 s15, s14;
	s15 =	ssub.s32 s31, s16;
	[sflag:s12] =	ssyncset.done $0x0  }
0x17: {  	s13 =	sadd.s32 $0x13800, s14;
	s15 =	smax.u32 s15, $0x1;
	[sflag:s12] =	ssyncadd.s32 $0xFFFFC000  }
0x18: {  	[hbm4b:s13+s2] =	stream.linear.scatter [tilespmem:s8], [sflag:$0x3], $0x4000, $0x38;
	[tilespmem:$0x8400] =	vst v63  }
0x19: {  	p0 =	sne.s32 s15, $0x1;
	_ =	swait.ge [sflag:s3], $0x4000  }
.Ltmp0:
0x1a: {  	[sflag:s3] =	ssyncset.done $0x0;
	(pc) =	sbr.rel @!p0 .LBB2_2-.Ltmp0, $4  }
0x1b: {  	s14 =	sadd.s32 $0x3800, s14;
	[sflag:s3] =	ssyncadd.s32 $0xFFFFC000  }
0x1c: {  	[hbm4b:s14+s2] =	stream.linear.scatter [tilespmem:s10], [sflag:$0x3], $0x4000, $0x38;
	[tilespmem:$0x8400] =	vst v63  }
0x1d: {  	_ =	swait.ge [sflag:s3], $0x4000  }
0x1e: {  	s15 =	sadd.s32 $0xFFFFFFFF, s15;
	[sflag:s3] =	ssyncset.done $0x0  }
.LBB2_1:
0x1f: {  	p0 =	sne.s32 s15, $0x1;
	s15 =	sadd.s32 $0xFFFFFFFF, s15;
	[sflag:s3] =	ssyncadd.s32 $0xFFFFC000  }
0x20: {  	[tilespmem:s2], [sflag:$0x3] =	stream.linear.gather [hbm4b:s4+s2], $0x200, $0x38;
	[tilespmem:$0x8400] =	vst v63  }
0x21: {  	_ =	swait.ge [sflag:s3], $0x200  }
0x22: {  	[sflag:s3] =	ssyncset.done $0x0  }
0x23: {  	[sflag:s3] =	ssyncadd.s32 $0xFFFFFE00  }
0x24: {  	[tilespmem:s6], [sflag:$0x3] =	stream.linear.gather [hbm4b:s5+s2], $0x200, $0x38;
	[tilespmem:$0x8400] =	vst v63  }
0x25: {  	_ =	swait.ge [sflag:s3], $0x200  }
0x26: {  	[sflag:s3] =	ssyncset.done $0x0  }
0x27: {  	[sflag:s3] =	ssyncadd.s32 $0xFFFFFE00  }
0x28: {  	[tilespmem:s8], [sflag:$0x1] =	stream.indirect.gather [hbm4b:s7+s6], $0x20, s2, s6, $0xb8;
	[tilespmem:$0x8400] =	vst v63  }
0x29: {  	_ = 	snop  }
0x2a: {  	[tilespmem:s10], [sflag:$0x2] =	stream.indirect.gather [hbm4b:s9+s6], $0x20, s6, s6, $0xb8;
	[tilespmem:$0x8400] =	vst v63  }
0x2b: {  	_ =	swait.ge [sflag:s11], $0x4000  }
0x2c: {  	[sflag:s11] =	ssyncset.done $0x0  }
0x2d: {  	[sflag:s11] =	ssyncadd.s32 $0xFFFFC000  }
0x2e: {  	_ =	swait.ge [sflag:s12], $0x4000  }
0x2f: {  	[sflag:s12] =	ssyncset.done $0x0  }
0x30: {  	[sflag:s12] =	ssyncadd.s32 $0xFFFFC000  }
0x31: {  	[hbm4b:s13+s2] =	stream.linear.scatter [tilespmem:s8], [sflag:$0x3], $0x4000, $0x38;
	[tilespmem:$0x8400] =	vst v63  }
0x32: {  	_ =	swait.ge [sflag:s3], $0x4000  }
.Ltmp1:
0x33: {  	[sflag:s3] =	ssyncset.done $0x0;
	(pc) =	sbr.rel @p0 .LBB2_1-.Ltmp1, $4  }
0x34: {  	[sflag:s3] =	ssyncadd.s32 $0xFFFFC000  }
0x35: {  	[hbm4b:s14+s2] =	stream.linear.scatter [tilespmem:s10], [sflag:$0x3], $0x4000, $0x38;
	[tilespmem:$0x8400] =	vst v63  }
0x36: {  	_ =	swait.ge [sflag:s3], $0x4000  }
0x37: {  	[sflag:s3] =	ssyncset.done $0x0  }
.LBB2_2:
0x38: {  	[sflag:s3] =	ssyncadd.s32 $0xFFFFC000  }
0x39: {  	_ =	sfence.sel $0x180000  }
0x3a: {  	[bflag:$0x0] =	sbarrier.arrive $0xFFFF  }
0x3b: {  	p0 =	sne.s32 s0, $0x0;
	_ =	strace $0x90000047  }
0x3c: {  	s0 =	sadd.s32 @!p0 $0x100000, s1;
	[bflag:$0x2] =	sbarrier.arrive $0xFFFF  }
0x3d: {  	[sflag:s0] =	ssyncadd.tile.s32 @!p0 $0x1;
	_ =	shalt  }
.Lfunc_end2:
_tile_overlayer_lowered:
.L_overlay_start_2:
0x3e: {  	(tag) =	ssettag $0x2  }
0x3f: {  	s0 =	rddreg [dreg:$0x0];
	s2 =	stileid.u32  }
0x40: {  	s1 =	rddreg [dreg:$0x1];
	p0 =	sne.s32 s2, $0x0  }
0x41: {  	s3 =	rddreg [dreg:$0x2];
	[bflag:$0x3] =	sbarrier.arrive $0xFFFF;
	s2 =	simm.s32 @!p0 $0x1C03  }
0x42: {  	[timem:s3], [sflag:s2] =	dma.local @!p0 [hbm:s0], s1  }
0x43: {  	s0 =	simm.s32 @!p0 $0x3  }
0x44: {  	_ =	swait.ge @!p0 [sflag:s0], s1  }
0x45: {  	s1 =	ssub.s32 @!p0 $0x0, s1;
	[sflag:s0] =	ssyncset.done @!p0 $0x0  }
0x46: {  	[sflag:s0] =	ssyncadd.s32 @!p0 s1  }
0x47: {  	[bflag:$0x3] =	sbarrier.arrive $0xFFFF  }
0x48: {  	_ =	shalt  }

</sc_bundles>
